<compile_context>
chip_gen: v7x
topology: tpu7x:2x2x1
jax: 0.10.2.dev20260603
libtpu: 0.0.44.dev20260713+nightly
codegen_flags: <defaults>
</compile_context>

<pallas_src>
import functools

import jax
import jax.numpy as jnp
from jax import lax
from jax.experimental import pallas as pl
from jax.experimental.pallas import tpu as pltpu
from jax.experimental.pallas import tpu_sc as plsc

_NC = 2
_NS = 16
_NW = _NC * _NS
_CH = 128


def _sc_word_gather(widx, table):
    n = widx.shape[0]
    per = n // _NW
    nch = per // _CH
    mesh = plsc.VectorSubcoreMesh(core_axis_name="c", subcore_axis_name="s")

    @functools.partial(
        pl.kernel,
        mesh=mesh,
        out_type=jax.ShapeDtypeStruct((n, 256), jnp.float32),
        scratch_types=[
            pltpu.VMEM((per,), jnp.int32),
            pltpu.VMEM((2, _CH, 128), jnp.float32),
            pltpu.SemaphoreType.DMA,
            pltpu.SemaphoreType.DMA,
        ],
    )
    def k(idx_hbm, tab_hbm, out_hbm, idx_v, rows_v, g0, g1):
        wid = lax.axis_index("s") * _NC + lax.axis_index("c")
        base = wid * per
        pltpu.sync_copy(idx_hbm.at[pl.ds(base, per)], idx_v)
        gs = (g0, g1)

        def gather(j, slot):
            pltpu.async_copy(
                tab_hbm.at[idx_v.at[pl.ds(j * _CH, _CH)]], rows_v.at[slot], gs[slot]
            )

        def gwait(j, slot):
            pltpu.make_async_copy(
                tab_hbm.at[idx_v.at[pl.ds(j * _CH, _CH)]], rows_v.at[slot], gs[slot]
            ).wait()

        def store(j, slot):
            pltpu.sync_copy(
                rows_v.at[slot],
                out_hbm.at[pl.ds(base + j * _CH, _CH), pl.ds(0, 128)],
            )

        gather(0, 0)
        gather(1, 1)

        def body(p, carry):
            j = 2 * p
            gwait(j, 0)
            store(j, 0)

            @pl.when(j + 2 < nch)
            def _():
                gather(j + 2, 0)

            gwait(j + 1, 1)
            store(j + 1, 1)

            @pl.when(j + 3 < nch)
            def _():
                gather(j + 3, 1)

            return carry

        lax.fori_loop(0, nch // 2, body, 0)

    return k(widx, table)


def _tdnn_body(cit_ref, wide_ref, ctt_ref, w1_ref, w2_ref, w3_ref, out_ref):
    del wide_ref
    r = cit_ref.shape[1]
    cit = cit_ref[...]
    subs = lax.broadcasted_iota(jnp.int32, (128, r), 0)
    ctt = ctt_ref[...]

    es = []
    for t in range(12):
        idx_t = jnp.broadcast_to(cit[t : t + 1, :], (16, r))
        es.append(jnp.take_along_axis(ctt, idx_t, axis=1))
    eT = jnp.concatenate(es, axis=1)

    y1 = jnp.maximum(
        jnp.dot(w1_ref[...], eT, preferred_element_type=jnp.float32), 0.0
    )
    m1 = y1[:, 0:r]
    for t in range(1, 12):
        m1 = jnp.maximum(m1, y1[:, t * r : (t + 1) * r])

    x2 = jnp.concatenate([eT[:, 0 : 11 * r], eT[:, r : 12 * r]], axis=0)
    y2 = jnp.maximum(
        jnp.dot(w2_ref[...], x2, preferred_element_type=jnp.float32), 0.0
    )
    m2 = y2[:, 0:r]
    for t in range(1, 11):
        m2 = jnp.maximum(m2, y2[:, t * r : (t + 1) * r])

    x3 = jnp.concatenate(
        [eT[:, 0 : 10 * r], eT[:, r : 11 * r], eT[:, 2 * r : 12 * r]], axis=0
    )
    y3 = jnp.maximum(
        jnp.dot(w3_ref[...], x3, preferred_element_type=jnp.float32), 0.0
    )
    m3 = y3[:, 0:r]
    for t in range(1, 10):
        m3 = jnp.maximum(m3, y3[:, t * r : (t + 1) * r])

    s = jnp.concatenate([m1, m2, m3], axis=0)
    out_ref[...] = s.T


def _tdnn_call(cit, wide, ctt, w1, w2, w3):
    n = cit.shape[1]
    r = 2048
    return pl.pallas_call(
        _tdnn_body,
        grid=(n // r,),
        in_specs=[
            pl.BlockSpec((12, r), lambda i: (0, i)),
            pl.BlockSpec(memory_space=pl.ANY),
            pl.BlockSpec((16, 128), lambda i: (0, 0)),
            pl.BlockSpec((32, 16), lambda i: (0, 0)),
            pl.BlockSpec((32, 32), lambda i: (0, 0)),
            pl.BlockSpec((64, 48), lambda i: (0, 0)),
        ],
        out_specs=pl.BlockSpec((r, 128), lambda i: (i, 1)),
        out_shape=jax.ShapeDtypeStruct((n, 256), jnp.float32),
        input_output_aliases={1: 0},
    )(cit, wide, ctt, w1, w2, w3)


def kernel(word_input, character_input, word_table, char_table, W1, W2, W3):
    b, s = word_input.shape
    n = b * s
    widx = word_input.reshape(n).astype(jnp.int32)
    wide = _sc_word_gather(widx, word_table)

    cit = character_input.reshape(n, 12).astype(jnp.int32).T
    ctt = char_table.T
    w2 = jnp.concatenate([W2[:, :, 0], W2[:, :, 1]], axis=1)
    w3 = jnp.concatenate([W3[:, :, 0], W3[:, :, 1], W3[:, :, 2]], axis=1)
    out = _tdnn_call(cit, wide, ctt, W1[:, :, 0], w2, w3)
    return out.reshape(b, s, 256)

# --- scband reference (transcript-rebuilt; emitter-appended) ---
"""Pipeline reference for scband-embedding-25228637897237 (READ-ONLY COPY).

The authoritative reference and input builder live on the scoring server;
editing this copy changes nothing except your own understanding.
"""

import jax, jax.numpy as jnp
import numpy as np
from jax import lax

WORD_VOCAB = 1000000
WORD_DIM = 128
CHAR_VOCAB = 128
CHAR_DIM = 16
MAX_WORD_LEN = 12
BATCH = 1024
SEQ = 200


def setup_inputs(seed: int = 0) -> dict:
    key = jax.random.key(seed)
    k = jax.random.split(key, 7)
    word_input = jax.random.randint(k[0], (BATCH, SEQ), 0, WORD_VOCAB)
    character_input = jax.random.randint(k[1], (BATCH, SEQ, MAX_WORD_LEN), 0, CHAR_VOCAB)
    # learned parameters
    word_table = jax.random.normal(k[2], (WORD_VOCAB, WORD_DIM), dtype=jnp.float32) * 0.1
    char_table = jax.random.uniform(k[3], (CHAR_VOCAB, CHAR_DIM), minval=-1.0, maxval=1.0, dtype=jnp.float32)
    # TDNN conv1d kernels, torch layout [out_channels, in_channels, kW]
    W1 = jax.random.normal(k[4], (32, CHAR_DIM, 1), dtype=jnp.float32) * 0.05
    W2 = jax.random.normal(k[5], (32, CHAR_DIM, 2), dtype=jnp.float32) * 0.05
    W3 = jax.random.normal(k[6], (64, CHAR_DIM, 3), dtype=jnp.float32) * 0.05
    return {"word_input": word_input, "character_input": character_input,
            "word_table": word_table, "char_table": char_table,
            "W1": W1, "W2": W2, "W3": W3}


def _tdnn(ce, Ws):
    # ce: [batch, seq, max_word_len, char_dim]
    bs, sl, L, cd = ce.shape
    x = ce.reshape(bs * sl, L, cd).transpose(0, 2, 1)  # [B*S, C, L]
    outs = []
    for W in Ws:
        y = lax.conv_general_dilated(x, W, window_strides=(1,), padding='VALID',
                                     dimension_numbers=('NCH', 'OIH', 'NCH'))
        y = jnp.maximum(y, 0.0)
        outs.append(jnp.max(y, axis=2))  # max-pool over time
    out = jnp.concatenate(outs, axis=1)  # [B*S, sum_depth]
    return out.reshape(bs, sl, -1)


def reference(word_input, character_input, word_table, char_table, W1, W2, W3):
    # word embedding lookup
    we = jnp.take(word_table, word_input, axis=0)  # [B, S, word_dim]
    # char embedding lookup
    ce = jnp.take(char_table, character_input, axis=0)  # [B, S, L, char_dim]
    c = _tdnn(ce, (W1, W2, W3))  # [B, S, sum_depth]
    return jnp.concatenate([we, c], axis=2)  # [B, S, word_dim + sum_depth]

if __name__ == "__main__":
    import jax
    _d = setup_inputs()
    print(jax.jit(kernel)(*tuple(_d.values())))

</pallas_src>

<mosaic_0001>
#map = affine_map<(d0, d1) -> (0)>
#map1 = affine_map<(d0, d1) -> (0, 0)>
module attributes {stable_mosaic.version = 14 : i64} {
  func.func @k(%arg0: i32, %arg1: i32, %arg2: memref<204800xi32, #tpu.memory_space<hbm>>, %arg3: memref<1000000x128xf32, #tpu.memory_space<hbm>>, %arg4: memref<204800x256xf32, #tpu.memory_space<hbm>>, %arg5: memref<6400xi32, #tpu.memory_space<vmem>>, %arg6: memref<2x128x128xf32, #tpu.memory_space<vmem>>, %arg7: memref<!tpu.dma_semaphore, #tpu.memory_space<semaphore_mem>>, %arg8: memref<!tpu.dma_semaphore, #tpu.memory_space<semaphore_mem>>) attributes {dimension_semantics = [#tpu.dimension_semantics<core_parallel>, #tpu.dimension_semantics<subcore_parallel>], iteration_bounds = array<i64: 2, 16>, scalar_prefetch = 0 : i64, scratch_operands = 4 : i64, tpu.core_type = #tpu.core_type<sc_vector_subcore>, window_params = [{transform_indices = #map}, {transform_indices = #map1}, {transform_indices = #map1}]} {
    %mul3A = arith.constant 2 : i32
    %mul3A_0 = arith.muli %arg1, %mul3A : i32
    %add3A = arith.addi %mul3A_0, %arg0 : i32
    %mul3A_1 = arith.constant 6400 : i32
    %mul3A_2 = arith.muli %add3A, %mul3A_1 : i32
    "tpu.region"() ({
      %run_scoped3A = tpu.sem_alloc : memref<!tpu.dma_semaphore, #tpu.memory_space<semaphore_mem>>
      %dma_start3A_27 = tpu.memref_slice %arg2[%mul3A_2] : memref<204800xi32, #tpu.memory_space<hbm>> -> memref<6400xi32, #tpu.memory_space<hbm>>
      %dma_start3A_28 = tpu.memref_slice %arg2[%mul3A_2] : memref<204800xi32, #tpu.memory_space<hbm>> -> memref<6400xi32, #tpu.memory_space<hbm>>
      tpu.enqueue_dma source(%dma_start3A_28 : memref<6400xi32, #tpu.memory_space<hbm>>) target(%arg5 : memref<6400xi32, #tpu.memory_space<vmem>>) target_semaphore(%run_scoped3A : memref<!tpu.dma_semaphore, #tpu.memory_space<semaphore_mem>>)
      %dma_wait3A = tpu.memref_slice %arg2[%mul3A_2] : memref<204800xi32, #tpu.memory_space<hbm>> -> memref<6400xi32, #tpu.memory_space<hbm>>
      %dma_wait3A_29 = tpu.memref_slice %arg2[%mul3A_2] : memref<204800xi32, #tpu.memory_space<hbm>> -> memref<6400xi32, #tpu.memory_space<hbm>>
      tpu.wait_dma2 semaphore(%run_scoped3A : memref<!tpu.dma_semaphore, #tpu.memory_space<semaphore_mem>>) src(%dma_wait3A_29 : memref<6400xi32, #tpu.memory_space<hbm>>) dst(%arg5 : memref<6400xi32, #tpu.memory_space<vmem>>)
      tpu.yield
    }) : () -> ()
    %dma_start3A = arith.constant 0 : i32
    %dma_start3A_3 = arith.constant 0 : i32
    %dma_start3A_4 = arith.constant 0 : i32
    %dma_start3A_5 = tpu.memref_slice %arg6[%dma_start3A, %dma_start3A_3, %dma_start3A_4] : memref<2x128x128xf32, #tpu.memory_space<vmem>> -> memref<1x128x128xf32, #tpu.memory_space<vmem>>
    %dma_start3A_6 = tpu.memref_squeeze %dma_start3A_5 : memref<1x128x128xf32, #tpu.memory_space<vmem>> -> memref<128x128xf32, #tpu.memory_space<vmem>>
    %dma_start3A_7 = arith.constant 0 : i32
    %dma_start3A_8 = tpu.memref_slice %arg5[%dma_start3A_7] : memref<6400xi32, #tpu.memory_space<vmem>> -> memref<128xi32, #tpu.memory_space<vmem>>
    %dma_start3A_9 = arith.constant 0 : i32
    %dma_start3A_10 = arith.constant 0 : i32
    %dma_start3A_11 = tpu.memref_slice %arg3[%dma_start3A_9, %dma_start3A_10] : memref<1000000x128xf32, #tpu.memory_space<hbm>> -> memref<1000000x128xf32, #tpu.memory_space<hbm>>
    tpu.enqueue_indirect_dma source(%dma_start3A_11 : memref<1000000x128xf32, #tpu.memory_space<hbm>>) target(%dma_start3A_6 : memref<128x128xf32, #tpu.memory_space<vmem>>) offsets(%dma_start3A_8 : memref<128xi32, #tpu.memory_space<vmem>>) semaphore(%arg7 : memref<!tpu.dma_semaphore, #tpu.memory_space<semaphore_mem>>)
    %dma_start3A_12 = arith.constant 1 : i32
    %dma_start3A_13 = arith.constant 0 : i32
    %dma_start3A_14 = arith.constant 0 : i32
    %dma_start3A_15 = tpu.memref_slice %arg6[%dma_start3A_12, %dma_start3A_13, %dma_start3A_14] : memref<2x128x128xf32, #tpu.memory_space<vmem>> -> memref<1x128x128xf32, #tpu.memory_space<vmem>>
    %dma_start3A_16 = tpu.memref_squeeze %dma_start3A_15 : memref<1x128x128xf32, #tpu.memory_space<vmem>> -> memref<128x128xf32, #tpu.memory_space<vmem>>
    %dma_start3A_17 = arith.constant 128 : i32
    %dma_start3A_18 = tpu.memref_slice %arg5[%dma_start3A_17] : memref<6400xi32, #tpu.memory_space<vmem>> -> memref<128xi32, #tpu.memory_space<vmem>>
    %dma_start3A_19 = arith.constant 0 : i32
    %dma_start3A_20 = arith.constant 0 : i32
    %dma_start3A_21 = tpu.memref_slice %arg3[%dma_start3A_19, %dma_start3A_20] : memref<1000000x128xf32, #tpu.memory_space<hbm>> -> memref<1000000x128xf32, #tpu.memory_space<hbm>>
    tpu.enqueue_indirect_dma source(%dma_start3A_21 : memref<1000000x128xf32, #tpu.memory_space<hbm>>) target(%dma_start3A_16 : memref<128x128xf32, #tpu.memory_space<vmem>>) offsets(%dma_start3A_18 : memref<128xi32, #tpu.memory_space<vmem>>) semaphore(%arg8 : memref<!tpu.dma_semaphore, #tpu.memory_space<semaphore_mem>>)
    %scan3A = arith.constant 0 : i32
    %scan3A_22 = arith.constant 0 : i32
    %scan3A_23 = arith.constant 25 : i32
    %scan3A_24 = arith.addi %scan3A_22, %scan3A_23 : i32
    %scan3A_25 = arith.constant 1 : i32
    scf.for %scan3A_27 = %scan3A_22 to %scan3A_24 step %scan3A_25  : i32 {
      %mul3A_28 = arith.constant 2 : i32
      %mul3A_29 = arith.muli %mul3A_28, %scan3A_27 : i32
      %mul3A_30 = arith.constant 128 : i32
      %mul3A_31 = arith.muli %mul3A_29, %mul3A_30 : i32
      %dma_wait3A = arith.constant 0 : i32
      %dma_wait3A_32 = arith.constant 0 : i32
      %dma_wait3A_33 = arith.constant 0 : i32
      %dma_wait3A_34 = tpu.memref_slice %arg6[%dma_wait3A, %dma_wait3A_32, %dma_wait3A_33] : memref<2x128x128xf32, #tpu.memory_space<vmem>> -> memref<1x128x128xf32, #tpu.memory_space<vmem>>
      %dma_wait3A_35 = tpu.memref_squeeze %dma_wait3A_34 : memref<1x128x128xf32, #tpu.memory_space<vmem>> -> memref<128x128xf32, #tpu.memory_space<vmem>>
      %dma_wait3A_36 = tpu.memref_slice %arg5[%mul3A_31] : memref<6400xi32, #tpu.memory_space<vmem>> -> memref<128xi32, #tpu.memory_space<vmem>>
      %dma_wait3A_37 = arith.constant 0 : i32
      %dma_wait3A_38 = arith.constant 0 : i32
      %dma_wait3A_39 = tpu.memref_slice %arg3[%dma_wait3A_37, %dma_wait3A_38] : memref<1000000x128xf32, #tpu.memory_space<hbm>> -> memref<1000000x128xf32, #tpu.memory_space<hbm>>
      tpu.wait_indirect_dma semaphore(%arg7 : memref<!tpu.dma_semaphore, #tpu.memory_space<semaphore_mem>>) src(%dma_wait3A_39 : memref<1000000x128xf32, #tpu.memory_space<hbm>>) dst(%dma_wait3A_35 : memref<128x128xf32, #tpu.memory_space<vmem>>)
      %mul3A_40 = arith.constant 128 : i32
      %mul3A_41 = arith.muli %mul3A_29, %mul3A_40 : i32
      %add3A_42 = arith.addi %mul3A_2, %mul3A_41 : i32
      %run_scoped3A = arith.constant 0 : i32
      "tpu.region"() ({
        %run_scoped3A_73 = tpu.sem_alloc : memref<!tpu.dma_semaphore, #tpu.memory_space<semaphore_mem>>
        %dma_start3A_74 = arith.constant 0 : i32
        %dma_start3A_75 = arith.constant 0 : i32
        %dma_start3A_76 = tpu.memref_slice %arg6[%run_scoped3A, %dma_start3A_74, %dma_start3A_75] : memref<2x128x128xf32, #tpu.memory_space<vmem>> -> memref<1x128x128xf32, #tpu.memory_space<vmem>>
        %dma_start3A_77 = tpu.memref_squeeze %dma_start3A_76 : memref<1x128x128xf32, #tpu.memory_space<vmem>> -> memref<128x128xf32, #tpu.memory_space<vmem>>
        %dma_start3A_78 = arith.constant 0 : i32
        %dma_start3A_79 = tpu.memref_slice %arg4[%add3A_42, %dma_start3A_78] : memref<204800x256xf32, #tpu.memory_space<hbm>> -> memref<128x128xf32, #tpu.memory_space<hbm>>
        %dma_start3A_80 = arith.constant 0 : i32
        %dma_start3A_81 = tpu.memref_slice %arg4[%add3A_42, %dma_start3A_80] : memref<204800x256xf32, #tpu.memory_space<hbm>> -> memref<128x128xf32, #tpu.memory_space<hbm>>
        %dma_start3A_82 = arith.constant 0 : i32
        %dma_start3A_83 = arith.constant 0 : i32
        %dma_start3A_84 = tpu.memref_slice %arg6[%run_scoped3A, %dma_start3A_82, %dma_start3A_83] : memref<2x128x128xf32, #tpu.memory_space<vmem>> -> memref<1x128x128xf32, #tpu.memory_space<vmem>>
        %dma_start3A_85 = tpu.memref_squeeze %dma_start3A_84 : memref<1x128x128xf32, #tpu.memory_space<vmem>> -> memref<128x128xf32, #tpu.memory_space<vmem>>
        tpu.enqueue_dma source(%dma_start3A_85 : memref<128x128xf32, #tpu.memory_space<vmem>>) target(%dma_start3A_81 : memref<128x128xf32, #tpu.memory_space<hbm>>) target_semaphore(%run_scoped3A_73 : memref<!tpu.dma_semaphore, #tpu.memory_space<semaphore_mem>>)
        %dma_wait3A_86 = arith.constant 0 : i32
        %dma_wait3A_87 = arith.constant 0 : i32
        %dma_wait3A_88 = tpu.memref_slice %arg6[%run_scoped3A, %dma_wait3A_86, %dma_wait3A_87] : memref<2x128x128xf32, #tpu.memory_space<vmem>> -> memref<1x128x128xf32, #tpu.memory_space<vmem>>
        %dma_wait3A_89 = tpu.memref_squeeze %dma_wait3A_88 : memref<1x128x128xf32, #tpu.memory_space<vmem>> -> memref<128x128xf32, #tpu.memory_space<vmem>>
        %dma_wait3A_90 = arith.constant 0 : i32
        %dma_wait3A_91 = tpu.memref_slice %arg4[%add3A_42, %dma_wait3A_90] : memref<204800x256xf32, #tpu.memory_space<hbm>> -> memref<128x128xf32, #tpu.memory_space<hbm>>
        %dma_wait3A_92 = arith.constant 0 : i32
        %dma_wait3A_93 = tpu.memref_slice %arg4[%add3A_42, %dma_wait3A_92] : memref<204800x256xf32, #tpu.memory_space<hbm>> -> memref<128x128xf32, #tpu.memory_space<hbm>>
        %dma_wait3A_94 = arith.constant 0 : i32
        %dma_wait3A_95 = arith.constant 0 : i32
        %dma_wait3A_96 = tpu.memref_slice %arg6[%run_scoped3A, %dma_wait3A_94, %dma_wait3A_95] : memref<2x128x128xf32, #tpu.memory_space<vmem>> -> memref<1x128x128xf32, #tpu.memory_space<vmem>>
        %dma_wait3A_97 = tpu.memref_squeeze %dma_wait3A_96 : memref<1x128x128xf32, #tpu.memory_space<vmem>> -> memref<128x128xf32, #tpu.memory_space<vmem>>
        tpu.wait_dma2 semaphore(%run_scoped3A_73 : memref<!tpu.dma_semaphore, #tpu.memory_space<semaphore_mem>>) src(%dma_wait3A_97 : memref<128x128xf32, #tpu.memory_space<vmem>>) dst(%dma_wait3A_93 : memref<128x128xf32, #tpu.memory_space<hbm>>)
        tpu.yield
      }) : () -> ()
      %add3A_43 = arith.constant 2 : i32
      %add3A_44 = arith.addi %mul3A_29, %add3A_43 : i32
      %lt3A = arith.constant 50 : i32
      %lt3A_45 = arith.cmpi slt, %add3A_44, %lt3A : i32
      %convert_element_type3A = arith.extui %lt3A_45 : i1 to i32
      %cond3A = arith.constant 0 : i32
      %cond3A_46 = arith.cmpi ne, %convert_element_type3A, %cond3A : i32
      scf.if %cond3A_46 {
        %add3A_73 = arith.constant 2 : i32
        %add3A_74 = arith.addi %mul3A_29, %add3A_73 : i32
        %mul3A_75 = arith.constant 128 : i32
        %mul3A_76 = arith.muli %add3A_74, %mul3A_75 : i32
        %dma_start3A_77 = arith.constant 0 : i32
        %dma_start3A_78 = arith.constant 0 : i32
        %dma_start3A_79 = arith.constant 0 : i32
        %dma_start3A_80 = tpu.memref_slice %arg6[%dma_start3A_77, %dma_start3A_78, %dma_start3A_79] : memref<2x128x128xf32, #tpu.memory_space<vmem>> -> memref<1x128x128xf32, #tpu.memory_space<vmem>>
        %dma_start3A_81 = tpu.memref_squeeze %dma_start3A_80 : memref<1x128x128xf32, #tpu.memory_space<vmem>> -> memref<128x128xf32, #tpu.memory_space<vmem>>
        %dma_start3A_82 = tpu.memref_slice %arg5[%mul3A_76] : memref<6400xi32, #tpu.memory_space<vmem>> -> memref<128xi32, #tpu.memory_space<vmem>>
        %dma_start3A_83 = arith.constant 0 : i32
        %dma_start3A_84 = arith.constant 0 : i32
        %dma_start3A_85 = tpu.memref_slice %arg3[%dma_start3A_83, %dma_start3A_84] : memref<1000000x128xf32, #tpu.memory_space<hbm>> -> memref<1000000x128xf32, #tpu.memory_space<hbm>>
        tpu.enqueue_indirect_dma source(%dma_start3A_85 : memref<1000000x128xf32, #tpu.memory_space<hbm>>) target(%dma_start3A_81 : memref<128x128xf32, #tpu.memory_space<vmem>>) offsets(%dma_start3A_82 : memref<128xi32, #tpu.memory_space<vmem>>) semaphore(%arg7 : memref<!tpu.dma_semaphore, #tpu.memory_space<semaphore_mem>>)
      } else {
      }
      %add3A_47 = arith.constant 1 : i32
      %add3A_48 = arith.addi %mul3A_29, %add3A_47 : i32
      %mul3A_49 = arith.constant 128 : i32
      %mul3A_50 = arith.muli %add3A_48, %mul3A_49 : i32
      %dma_wait3A_51 = arith.constant 1 : i32
      %dma_wait3A_52 = arith.constant 0 : i32
      %dma_wait3A_53 = arith.constant 0 : i32
      %dma_wait3A_54 = tpu.memref_slice %arg6[%dma_wait3A_51, %dma_wait3A_52, %dma_wait3A_53] : memref<2x128x128xf32, #tpu.memory_space<vmem>> -> memref<1x128x128xf32, #tpu.memory_space<vmem>>
      %dma_wait3A_55 = tpu.memref_squeeze %dma_wait3A_54 : memref<1x128x128xf32, #tpu.memory_space<vmem>> -> memref<128x128xf32, #tpu.memory_space<vmem>>
      %dma_wait3A_56 = tpu.memref_slice %arg5[%mul3A_50] : memref<6400xi32, #tpu.memory_space<vmem>> -> memref<128xi32, #tpu.memory_space<vmem>>
      %dma_wait3A_57 = arith.constant 0 : i32
      %dma_wait3A_58 = arith.constant 0 : i32
      %dma_wait3A_59 = tpu.memref_slice %arg3[%dma_wait3A_57, %dma_wait3A_58] : memref<1000000x128xf32, #tpu.memory_space<hbm>> -> memref<1000000x128xf32, #tpu.memory_space<hbm>>
      tpu.wait_indirect_dma semaphore(%arg8 : memref<!tpu.dma_semaphore, #tpu.memory_space<semaphore_mem>>) src(%dma_wait3A_59 : memref<1000000x128xf32, #tpu.memory_space<hbm>>) dst(%dma_wait3A_55 : memref<128x128xf32, #tpu.memory_space<vmem>>)
      %add3A_60 = arith.constant 1 : i32
      %add3A_61 = arith.addi %mul3A_29, %add3A_60 : i32
      %mul3A_62 = arith.constant 128 : i32
      %mul3A_63 = arith.muli %add3A_61, %mul3A_62 : i32
      %add3A_64 = arith.addi %mul3A_2, %mul3A_63 : i32
      %run_scoped3A_65 = arith.constant 1 : i32
      "tpu.region"() ({
        %run_scoped3A_73 = tpu.sem_alloc : memref<!tpu.dma_semaphore, #tpu.memory_space<semaphore_mem>>
        %dma_start3A_74 = arith.constant 0 : i32
        %dma_start3A_75 = arith.constant 0 : i32
        %dma_start3A_76 = tpu.memref_slice %arg6[%run_scoped3A_65, %dma_start3A_74, %dma_start3A_75] : memref<2x128x128xf32, #tpu.memory_space<vmem>> -> memref<1x128x128xf32, #tpu.memory_space<vmem>>
        %dma_start3A_77 = tpu.memref_squeeze %dma_start3A_76 : memref<1x128x128xf32, #tpu.memory_space<vmem>> -> memref<128x128xf32, #tpu.memory_space<vmem>>
        %dma_start3A_78 = arith.constant 0 : i32
        %dma_start3A_79 = tpu.memref_slice %arg4[%add3A_64, %dma_start3A_78] : memref<204800x256xf32, #tpu.memory_space<hbm>> -> memref<128x128xf32, #tpu.memory_space<hbm>>
        %dma_start3A_80 = arith.constant 0 : i32
        %dma_start3A_81 = tpu.memref_slice %arg4[%add3A_64, %dma_start3A_80] : memref<204800x256xf32, #tpu.memory_space<hbm>> -> memref<128x128xf32, #tpu.memory_space<hbm>>
        %dma_start3A_82 = arith.constant 0 : i32
        %dma_start3A_83 = arith.constant 0 : i32
        %dma_start3A_84 = tpu.memref_slice %arg6[%run_scoped3A_65, %dma_start3A_82, %dma_start3A_83] : memref<2x128x128xf32, #tpu.memory_space<vmem>> -> memref<1x128x128xf32, #tpu.memory_space<vmem>>
        %dma_start3A_85 = tpu.memref_squeeze %dma_start3A_84 : memref<1x128x128xf32, #tpu.memory_space<vmem>> -> memref<128x128xf32, #tpu.memory_space<vmem>>
        tpu.enqueue_dma source(%dma_start3A_85 : memref<128x128xf32, #tpu.memory_space<vmem>>) target(%dma_start3A_81 : memref<128x128xf32, #tpu.memory_space<hbm>>) target_semaphore(%run_scoped3A_73 : memref<!tpu.dma_semaphore, #tpu.memory_space<semaphore_mem>>)
        %dma_wait3A_86 = arith.constant 0 : i32
        %dma_wait3A_87 = arith.constant 0 : i32
        %dma_wait3A_88 = tpu.memref_slice %arg6[%run_scoped3A_65, %dma_wait3A_86, %dma_wait3A_87] : memref<2x128x128xf32, #tpu.memory_space<vmem>> -> memref<1x128x128xf32, #tpu.memory_space<vmem>>
        %dma_wait3A_89 = tpu.memref_squeeze %dma_wait3A_88 : memref<1x128x128xf32, #tpu.memory_space<vmem>> -> memref<128x128xf32, #tpu.memory_space<vmem>>
        %dma_wait3A_90 = arith.constant 0 : i32
        %dma_wait3A_91 = tpu.memref_slice %arg4[%add3A_64, %dma_wait3A_90] : memref<204800x256xf32, #tpu.memory_space<hbm>> -> memref<128x128xf32, #tpu.memory_space<hbm>>
        %dma_wait3A_92 = arith.constant 0 : i32
        %dma_wait3A_93 = tpu.memref_slice %arg4[%add3A_64, %dma_wait3A_92] : memref<204800x256xf32, #tpu.memory_space<hbm>> -> memref<128x128xf32, #tpu.memory_space<hbm>>
        %dma_wait3A_94 = arith.constant 0 : i32
        %dma_wait3A_95 = arith.constant 0 : i32
        %dma_wait3A_96 = tpu.memref_slice %arg6[%run_scoped3A_65, %dma_wait3A_94, %dma_wait3A_95] : memref<2x128x128xf32, #tpu.memory_space<vmem>> -> memref<1x128x128xf32, #tpu.memory_space<vmem>>
        %dma_wait3A_97 = tpu.memref_squeeze %dma_wait3A_96 : memref<1x128x128xf32, #tpu.memory_space<vmem>> -> memref<128x128xf32, #tpu.memory_space<vmem>>
        tpu.wait_dma2 semaphore(%run_scoped3A_73 : memref<!tpu.dma_semaphore, #tpu.memory_space<semaphore_mem>>) src(%dma_wait3A_97 : memref<128x128xf32, #tpu.memory_space<vmem>>) dst(%dma_wait3A_93 : memref<128x128xf32, #tpu.memory_space<hbm>>)
        tpu.yield
      }) : () -> ()
      %add3A_66 = arith.constant 3 : i32
      %add3A_67 = arith.addi %mul3A_29, %add3A_66 : i32
      %lt3A_68 = arith.constant 50 : i32
      %lt3A_69 = arith.cmpi slt, %add3A_67, %lt3A_68 : i32
      %convert_element_type3A_70 = arith.extui %lt3A_69 : i1 to i32
      %cond3A_71 = arith.constant 0 : i32
      %cond3A_72 = arith.cmpi ne, %convert_element_type3A_70, %cond3A_71 : i32
      scf.if %cond3A_72 {
        %add3A_73 = arith.constant 3 : i32
        %add3A_74 = arith.addi %mul3A_29, %add3A_73 : i32
        %mul3A_75 = arith.constant 128 : i32
        %mul3A_76 = arith.muli %add3A_74, %mul3A_75 : i32
        %dma_start3A_77 = arith.constant 1 : i32
        %dma_start3A_78 = arith.constant 0 : i32
        %dma_start3A_79 = arith.constant 0 : i32
        %dma_start3A_80 = tpu.memref_slice %arg6[%dma_start3A_77, %dma_start3A_78, %dma_start3A_79] : memref<2x128x128xf32, #tpu.memory_space<vmem>> -> memref<1x128x128xf32, #tpu.memory_space<vmem>>
        %dma_start3A_81 = tpu.memref_squeeze %dma_start3A_80 : memref<1x128x128xf32, #tpu.memory_space<vmem>> -> memref<128x128xf32, #tpu.memory_space<vmem>>
        %dma_start3A_82 = tpu.memref_slice %arg5[%mul3A_76] : memref<6400xi32, #tpu.memory_space<vmem>> -> memref<128xi32, #tpu.memory_space<vmem>>
        %dma_start3A_83 = arith.constant 0 : i32
        %dma_start3A_84 = arith.constant 0 : i32
        %dma_start3A_85 = tpu.memref_slice %arg3[%dma_start3A_83, %dma_start3A_84] : memref<1000000x128xf32, #tpu.memory_space<hbm>> -> memref<1000000x128xf32, #tpu.memory_space<hbm>>
        tpu.enqueue_indirect_dma source(%dma_start3A_85 : memref<1000000x128xf32, #tpu.memory_space<hbm>>) target(%dma_start3A_81 : memref<128x128xf32, #tpu.memory_space<vmem>>) offsets(%dma_start3A_82 : memref<128xi32, #tpu.memory_space<vmem>>) semaphore(%arg8 : memref<!tpu.dma_semaphore, #tpu.memory_space<semaphore_mem>>)
      } else {
      }
    }
    %scan3A_26 = arith.constant 25 : i32
    return
  }
}

module attributes {stable_mosaic.version = 14 : i64} {
  func.func @_tdnn_body(%arg0: i32, %arg1: memref<12x2048xi32, #tpu.memory_space<vmem>>, %arg2: memref<204800x256xf32, #tpu.memory_space<any>>, %arg3: memref<16x128xf32, #tpu.memory_space<vmem>>, %arg4: memref<32x16xf32, #tpu.memory_space<vmem>>, %arg5: memref<32x32xf32, #tpu.memory_space<vmem>>, %arg6: memref<64x48xf32, #tpu.memory_space<vmem>>, %arg7: memref<2048x128xf32, #tpu.memory_space<vmem>>) attributes {dimension_semantics = [#tpu.dimension_semantics<arbitrary>], iteration_bounds = array<i64: 100>, scalar_prefetch = 0 : i64, scratch_operands = 0 : i64, tpu.core_type = #tpu.core_type<tc>, window_params = [{transform_indices = @transform_0, window_bounds = array<i64: 12, 2048>}, {}, {pipeline_mode = #tpu.pipeline_mode<synchronous>, transform_indices = @transform_2, window_bounds = array<i64: 16, 128>}, {pipeline_mode = #tpu.pipeline_mode<synchronous>, transform_indices = @transform_3, window_bounds = array<i64: 32, 16>}, {pipeline_mode = #tpu.pipeline_mode<synchronous>, transform_indices = @transform_4, window_bounds = array<i64: 32, 32>}, {pipeline_mode = #tpu.pipeline_mode<synchronous>, transform_indices = @transform_5, window_bounds = array<i64: 64, 48>}, {transform_indices = @transform_6, window_bounds = array<i64: 2048, 128>}]} {
    %get3A = arith.constant 0 : index
    %get3A_0 = arith.constant 0 : index
    %get3A_1 = vector.load %arg1[%get3A, %get3A_0] : memref<12x2048xi32, #tpu.memory_space<vmem>>, vector<12x2048xi32>
    %get3A_2 = arith.constant 0 : index
    %get3A_3 = arith.constant 0 : index
    %get3A_4 = vector.load %arg3[%get3A_2, %get3A_3] : memref<16x128xf32, #tpu.memory_space<vmem>>, vector<16x128xf32>
    %slice3A = vector.extract_strided_slice %get3A_1 {offsets = [0, 0], sizes = [1, 2048], strides = [1, 1]} : vector<12x2048xi32> to vector<1x2048xi32>
    %broadcast_in_dim3A = vector.shape_cast %slice3A : vector<1x2048xi32> to vector<1x2048xi32>
    %broadcast_in_dim3A_5 = vector.broadcast %broadcast_in_dim3A : vector<1x2048xi32> to vector<16x2048xi32>
    %lt3A = arith.constant 0 : i32
    %lt3A_6 = vector.broadcast %lt3A : i32 to vector<16x2048xi32>
    %lt3A_7 = arith.cmpi slt, %broadcast_in_dim3A_5, %lt3A_6 : vector<16x2048xi32>
    %add3A = arith.constant 128 : i32
    %add3A_8 = vector.broadcast %add3A : i32 to vector<16x2048xi32>
    %add3A_9 = arith.addi %broadcast_in_dim3A_5, %add3A_8 : vector<16x2048xi32>
    %select_n3A = arith.select %lt3A_7, %add3A_9, %broadcast_in_dim3A_5 : vector<16x2048xi1>, vector<16x2048xi32>
    %reshape3A = vector.shape_cast %select_n3A : vector<16x2048xi32> to vector<16x2048x1xi32>
    %gather3A = vector.shape_cast %reshape3A : vector<16x2048x1xi32> to vector<16x2048xi32>
    %gather3A_10 = tpu.dynamic_gather %get3A_4[%gather3A] in [1] : vector<16x128xf32>, vector<16x2048xi32> -> vector<16x2048xf32>
    %slice3A_11 = vector.extract_strided_slice %get3A_1 {offsets = [1, 0], sizes = [1, 2048], strides = [1, 1]} : vector<12x2048xi32> to vector<1x2048xi32>
    %broadcast_in_dim3A_12 = vector.shape_cast %slice3A_11 : vector<1x2048xi32> to vector<1x2048xi32>
    %broadcast_in_dim3A_13 = vector.broadcast %broadcast_in_dim3A_12 : vector<1x2048xi32> to vector<16x2048xi32>
    %lt3A_14 = arith.constant 0 : i32
    %lt3A_15 = vector.broadcast %lt3A_14 : i32 to vector<16x2048xi32>
    %lt3A_16 = arith.cmpi slt, %broadcast_in_dim3A_13, %lt3A_15 : vector<16x2048xi32>
    %add3A_17 = arith.constant 128 : i32
    %add3A_18 = vector.broadcast %add3A_17 : i32 to vector<16x2048xi32>
    %add3A_19 = arith.addi %broadcast_in_dim3A_13, %add3A_18 : vector<16x2048xi32>
    %select_n3A_20 = arith.select %lt3A_16, %add3A_19, %broadcast_in_dim3A_13 : vector<16x2048xi1>, vector<16x2048xi32>
    %reshape3A_21 = vector.shape_cast %select_n3A_20 : vector<16x2048xi32> to vector<16x2048x1xi32>
    %gather3A_22 = vector.shape_cast %reshape3A_21 : vector<16x2048x1xi32> to vector<16x2048xi32>
    %gather3A_23 = tpu.dynamic_gather %get3A_4[%gather3A_22] in [1] : vector<16x128xf32>, vector<16x2048xi32> -> vector<16x2048xf32>
    %slice3A_24 = vector.extract_strided_slice %get3A_1 {offsets = [2, 0], sizes = [1, 2048], strides = [1, 1]} : vector<12x2048xi32> to vector<1x2048xi32>
    %broadcast_in_dim3A_25 = vector.shape_cast %slice3A_24 : vector<1x2048xi32> to vector<1x2048xi32>
    %broadcast_in_dim3A_26 = vector.broadcast %broadcast_in_dim3A_25 : vector<1x2048xi32> to vector<16x2048xi32>
    %lt3A_27 = arith.constant 0 : i32
    %lt3A_28 = vector.broadcast %lt3A_27 : i32 to vector<16x2048xi32>
    %lt3A_29 = arith.cmpi slt, %broadcast_in_dim3A_26, %lt3A_28 : vector<16x2048xi32>
    %add3A_30 = arith.constant 128 : i32
    %add3A_31 = vector.broadcast %add3A_30 : i32 to vector<16x2048xi32>
    %add3A_32 = arith.addi %broadcast_in_dim3A_26, %add3A_31 : vector<16x2048xi32>
    %select_n3A_33 = arith.select %lt3A_29, %add3A_32, %broadcast_in_dim3A_26 : vector<16x2048xi1>, vector<16x2048xi32>
    %reshape3A_34 = vector.shape_cast %select_n3A_33 : vector<16x2048xi32> to vector<16x2048x1xi32>
    %gather3A_35 = vector.shape_cast %reshape3A_34 : vector<16x2048x1xi32> to vector<16x2048xi32>
    %gather3A_36 = tpu.dynamic_gather %get3A_4[%gather3A_35] in [1] : vector<16x128xf32>, vector<16x2048xi32> -> vector<16x2048xf32>
    %slice3A_37 = vector.extract_strided_slice %get3A_1 {offsets = [3, 0], sizes = [1, 2048], strides = [1, 1]} : vector<12x2048xi32> to vector<1x2048xi32>
    %broadcast_in_dim3A_38 = vector.shape_cast %slice3A_37 : vector<1x2048xi32> to vector<1x2048xi32>
    %broadcast_in_dim3A_39 = vector.broadcast %broadcast_in_dim3A_38 : vector<1x2048xi32> to vector<16x2048xi32>
    %lt3A_40 = arith.constant 0 : i32
    %lt3A_41 = vector.broadcast %lt3A_40 : i32 to vector<16x2048xi32>
    %lt3A_42 = arith.cmpi slt, %broadcast_in_dim3A_39, %lt3A_41 : vector<16x2048xi32>
    %add3A_43 = arith.constant 128 : i32
    %add3A_44 = vector.broadcast %add3A_43 : i32 to vector<16x2048xi32>
    %add3A_45 = arith.addi %broadcast_in_dim3A_39, %add3A_44 : vector<16x2048xi32>
    %select_n3A_46 = arith.select %lt3A_42, %add3A_45, %broadcast_in_dim3A_39 : vector<16x2048xi1>, vector<16x2048xi32>
    %reshape3A_47 = vector.shape_cast %select_n3A_46 : vector<16x2048xi32> to vector<16x2048x1xi32>
    %gather3A_48 = vector.shape_cast %reshape3A_47 : vector<16x2048x1xi32> to vector<16x2048xi32>
    %gather3A_49 = tpu.dynamic_gather %get3A_4[%gather3A_48] in [1] : vector<16x128xf32>, vector<16x2048xi32> -> vector<16x2048xf32>
    %slice3A_50 = vector.extract_strided_slice %get3A_1 {offsets = [4, 0], sizes = [1, 2048], strides = [1, 1]} : vector<12x2048xi32> to vector<1x2048xi32>
    %broadcast_in_dim3A_51 = vector.shape_cast %slice3A_50 : vector<1x2048xi32> to vector<1x2048xi32>
    %broadcast_in_dim3A_52 = vector.broadcast %broadcast_in_dim3A_51 : vector<1x2048xi32> to vector<16x2048xi32>
    %lt3A_53 = arith.constant 0 : i32
    %lt3A_54 = vector.broadcast %lt3A_53 : i32 to vector<16x2048xi32>
    %lt3A_55 = arith.cmpi slt, %broadcast_in_dim3A_52, %lt3A_54 : vector<16x2048xi32>
    %add3A_56 = arith.constant 128 : i32
    %add3A_57 = vector.broadcast %add3A_56 : i32 to vector<16x2048xi32>
    %add3A_58 = arith.addi %broadcast_in_dim3A_52, %add3A_57 : vector<16x2048xi32>
    %select_n3A_59 = arith.select %lt3A_55, %add3A_58, %broadcast_in_dim3A_52 : vector<16x2048xi1>, vector<16x2048xi32>
    %reshape3A_60 = vector.shape_cast %select_n3A_59 : vector<16x2048xi32> to vector<16x2048x1xi32>
    %gather3A_61 = vector.shape_cast %reshape3A_60 : vector<16x2048x1xi32> to vector<16x2048xi32>
    %gather3A_62 = tpu.dynamic_gather %get3A_4[%gather3A_61] in [1] : vector<16x128xf32>, vector<16x2048xi32> -> vector<16x2048xf32>
    %slice3A_63 = vector.extract_strided_slice %get3A_1 {offsets = [5, 0], sizes = [1, 2048], strides = [1, 1]} : vector<12x2048xi32> to vector<1x2048xi32>
    %broadcast_in_dim3A_64 = vector.shape_cast %slice3A_63 : vector<1x2048xi32> to vector<1x2048xi32>
    %broadcast_in_dim3A_65 = vector.broadcast %broadcast_in_dim3A_64 : vector<1x2048xi32> to vector<16x2048xi32>
    %lt3A_66 = arith.constant 0 : i32
    %lt3A_67 = vector.broadcast %lt3A_66 : i32 to vector<16x2048xi32>
    %lt3A_68 = arith.cmpi slt, %broadcast_in_dim3A_65, %lt3A_67 : vector<16x2048xi32>
    %add3A_69 = arith.constant 128 : i32
    %add3A_70 = vector.broadcast %add3A_69 : i32 to vector<16x2048xi32>
    %add3A_71 = arith.addi %broadcast_in_dim3A_65, %add3A_70 : vector<16x2048xi32>
    %select_n3A_72 = arith.select %lt3A_68, %add3A_71, %broadcast_in_dim3A_65 : vector<16x2048xi1>, vector<16x2048xi32>
    %reshape3A_73 = vector.shape_cast %select_n3A_72 : vector<16x2048xi32> to vector<16x2048x1xi32>
    %gather3A_74 = vector.shape_cast %reshape3A_73 : vector<16x2048x1xi32> to vector<16x2048xi32>
    %gather3A_75 = tpu.dynamic_gather %get3A_4[%gather3A_74] in [1] : vector<16x128xf32>, vector<16x2048xi32> -> vector<16x2048xf32>
    %slice3A_76 = vector.extract_strided_slice %get3A_1 {offsets = [6, 0], sizes = [1, 2048], strides = [1, 1]} : vector<12x2048xi32> to vector<1x2048xi32>
    %broadcast_in_dim3A_77 = vector.shape_cast %slice3A_76 : vector<1x2048xi32> to vector<1x2048xi32>
    %broadcast_in_dim3A_78 = vector.broadcast %broadcast_in_dim3A_77 : vector<1x2048xi32> to vector<16x2048xi32>
    %lt3A_79 = arith.constant 0 : i32
    %lt3A_80 = vector.broadcast %lt3A_79 : i32 to vector<16x2048xi32>
    %lt3A_81 = arith.cmpi slt, %broadcast_in_dim3A_78, %lt3A_80 : vector<16x2048xi32>
    %add3A_82 = arith.constant 128 : i32
    %add3A_83 = vector.broadcast %add3A_82 : i32 to vector<16x2048xi32>
    %add3A_84 = arith.addi %broadcast_in_dim3A_78, %add3A_83 : vector<16x2048xi32>
    %select_n3A_85 = arith.select %lt3A_81, %add3A_84, %broadcast_in_dim3A_78 : vector<16x2048xi1>, vector<16x2048xi32>
    %reshape3A_86 = vector.shape_cast %select_n3A_85 : vector<16x2048xi32> to vector<16x2048x1xi32>
    %gather3A_87 = vector.shape_cast %reshape3A_86 : vector<16x2048x1xi32> to vector<16x2048xi32>
    %gather3A_88 = tpu.dynamic_gather %get3A_4[%gather3A_87] in [1] : vector<16x128xf32>, vector<16x2048xi32> -> vector<16x2048xf32>
    %slice3A_89 = vector.extract_strided_slice %get3A_1 {offsets = [7, 0], sizes = [1, 2048], strides = [1, 1]} : vector<12x2048xi32> to vector<1x2048xi32>
    %broadcast_in_dim3A_90 = vector.shape_cast %slice3A_89 : vector<1x2048xi32> to vector<1x2048xi32>
    %broadcast_in_dim3A_91 = vector.broadcast %broadcast_in_dim3A_90 : vector<1x2048xi32> to vector<16x2048xi32>
    %lt3A_92 = arith.constant 0 : i32
    %lt3A_93 = vector.broadcast %lt3A_92 : i32 to vector<16x2048xi32>
    %lt3A_94 = arith.cmpi slt, %broadcast_in_dim3A_91, %lt3A_93 : vector<16x2048xi32>
    %add3A_95 = arith.constant 128 : i32
    %add3A_96 = vector.broadcast %add3A_95 : i32 to vector<16x2048xi32>
    %add3A_97 = arith.addi %broadcast_in_dim3A_91, %add3A_96 : vector<16x2048xi32>
    %select_n3A_98 = arith.select %lt3A_94, %add3A_97, %broadcast_in_dim3A_91 : vector<16x2048xi1>, vector<16x2048xi32>
    %reshape3A_99 = vector.shape_cast %select_n3A_98 : vector<16x2048xi32> to vector<16x2048x1xi32>
    %gather3A_100 = vector.shape_cast %reshape3A_99 : vector<16x2048x1xi32> to vector<16x2048xi32>
    %gather3A_101 = tpu.dynamic_gather %get3A_4[%gather3A_100] in [1] : vector<16x128xf32>, vector<16x2048xi32> -> vector<16x2048xf32>
    %slice3A_102 = vector.extract_strided_slice %get3A_1 {offsets = [8, 0], sizes = [1, 2048], strides = [1, 1]} : vector<12x2048xi32> to vector<1x2048xi32>
    %broadcast_in_dim3A_103 = vector.shape_cast %slice3A_102 : vector<1x2048xi32> to vector<1x2048xi32>
    %broadcast_in_dim3A_104 = vector.broadcast %broadcast_in_dim3A_103 : vector<1x2048xi32> to vector<16x2048xi32>
    %lt3A_105 = arith.constant 0 : i32
    %lt3A_106 = vector.broadcast %lt3A_105 : i32 to vector<16x2048xi32>
    %lt3A_107 = arith.cmpi slt, %broadcast_in_dim3A_104, %lt3A_106 : vector<16x2048xi32>
    %add3A_108 = arith.constant 128 : i32
    %add3A_109 = vector.broadcast %add3A_108 : i32 to vector<16x2048xi32>
    %add3A_110 = arith.addi %broadcast_in_dim3A_104, %add3A_109 : vector<16x2048xi32>
    %select_n3A_111 = arith.select %lt3A_107, %add3A_110, %broadcast_in_dim3A_104 : vector<16x2048xi1>, vector<16x2048xi32>
    %reshape3A_112 = vector.shape_cast %select_n3A_111 : vector<16x2048xi32> to vector<16x2048x1xi32>
    %gather3A_113 = vector.shape_cast %reshape3A_112 : vector<16x2048x1xi32> to vector<16x2048xi32>
    %gather3A_114 = tpu.dynamic_gather %get3A_4[%gather3A_113] in [1] : vector<16x128xf32>, vector<16x2048xi32> -> vector<16x2048xf32>
    %slice3A_115 = vector.extract_strided_slice %get3A_1 {offsets = [9, 0], sizes = [1, 2048], strides = [1, 1]} : vector<12x2048xi32> to vector<1x2048xi32>
    %broadcast_in_dim3A_116 = vector.shape_cast %slice3A_115 : vector<1x2048xi32> to vector<1x2048xi32>
    %broadcast_in_dim3A_117 = vector.broadcast %broadcast_in_dim3A_116 : vector<1x2048xi32> to vector<16x2048xi32>
    %lt3A_118 = arith.constant 0 : i32
    %lt3A_119 = vector.broadcast %lt3A_118 : i32 to vector<16x2048xi32>
    %lt3A_120 = arith.cmpi slt, %broadcast_in_dim3A_117, %lt3A_119 : vector<16x2048xi32>
    %add3A_121 = arith.constant 128 : i32
    %add3A_122 = vector.broadcast %add3A_121 : i32 to vector<16x2048xi32>
    %add3A_123 = arith.addi %broadcast_in_dim3A_117, %add3A_122 : vector<16x2048xi32>
    %select_n3A_124 = arith.select %lt3A_120, %add3A_123, %broadcast_in_dim3A_117 : vector<16x2048xi1>, vector<16x2048xi32>
    %reshape3A_125 = vector.shape_cast %select_n3A_124 : vector<16x2048xi32> to vector<16x2048x1xi32>
    %gather3A_126 = vector.shape_cast %reshape3A_125 : vector<16x2048x1xi32> to vector<16x2048xi32>
    %gather3A_127 = tpu.dynamic_gather %get3A_4[%gather3A_126] in [1] : vector<16x128xf32>, vector<16x2048xi32> -> vector<16x2048xf32>
    %slice3A_128 = vector.extract_strided_slice %get3A_1 {offsets = [10, 0], sizes = [1, 2048], strides = [1, 1]} : vector<12x2048xi32> to vector<1x2048xi32>
    %broadcast_in_dim3A_129 = vector.shape_cast %slice3A_128 : vector<1x2048xi32> to vector<1x2048xi32>
    %broadcast_in_dim3A_130 = vector.broadcast %broadcast_in_dim3A_129 : vector<1x2048xi32> to vector<16x2048xi32>
    %lt3A_131 = arith.constant 0 : i32
    %lt3A_132 = vector.broadcast %lt3A_131 : i32 to vector<16x2048xi32>
    %lt3A_133 = arith.cmpi slt, %broadcast_in_dim3A_130, %lt3A_132 : vector<16x2048xi32>
    %add3A_134 = arith.constant 128 : i32
    %add3A_135 = vector.broadcast %add3A_134 : i32 to vector<16x2048xi32>
    %add3A_136 = arith.addi %broadcast_in_dim3A_130, %add3A_135 : vector<16x2048xi32>
    %select_n3A_137 = arith.select %lt3A_133, %add3A_136, %broadcast_in_dim3A_130 : vector<16x2048xi1>, vector<16x2048xi32>
    %reshape3A_138 = vector.shape_cast %select_n3A_137 : vector<16x2048xi32> to vector<16x2048x1xi32>
    %gather3A_139 = vector.shape_cast %reshape3A_138 : vector<16x2048x1xi32> to vector<16x2048xi32>
    %gather3A_140 = tpu.dynamic_gather %get3A_4[%gather3A_139] in [1] : vector<16x128xf32>, vector<16x2048xi32> -> vector<16x2048xf32>
    %slice3A_141 = vector.extract_strided_slice %get3A_1 {offsets = [11, 0], sizes = [1, 2048], strides = [1, 1]} : vector<12x2048xi32> to vector<1x2048xi32>
    %broadcast_in_dim3A_142 = vector.shape_cast %slice3A_141 : vector<1x2048xi32> to vector<1x2048xi32>
    %broadcast_in_dim3A_143 = vector.broadcast %broadcast_in_dim3A_142 : vector<1x2048xi32> to vector<16x2048xi32>
    %lt3A_144 = arith.constant 0 : i32
    %lt3A_145 = vector.broadcast %lt3A_144 : i32 to vector<16x2048xi32>
    %lt3A_146 = arith.cmpi slt, %broadcast_in_dim3A_143, %lt3A_145 : vector<16x2048xi32>
    %add3A_147 = arith.constant 128 : i32
    %add3A_148 = vector.broadcast %add3A_147 : i32 to vector<16x2048xi32>
    %add3A_149 = arith.addi %broadcast_in_dim3A_143, %add3A_148 : vector<16x2048xi32>
    %select_n3A_150 = arith.select %lt3A_146, %add3A_149, %broadcast_in_dim3A_143 : vector<16x2048xi1>, vector<16x2048xi32>
    %reshape3A_151 = vector.shape_cast %select_n3A_150 : vector<16x2048xi32> to vector<16x2048x1xi32>
    %gather3A_152 = vector.shape_cast %reshape3A_151 : vector<16x2048x1xi32> to vector<16x2048xi32>
    %gather3A_153 = tpu.dynamic_gather %get3A_4[%gather3A_152] in [1] : vector<16x128xf32>, vector<16x2048xi32> -> vector<16x2048xf32>
    %concatenate3A = tpu.concatenate %gather3A_10, %gather3A_23, %gather3A_36, %gather3A_49, %gather3A_62, %gather3A_75, %gather3A_88, %gather3A_101, %gather3A_114, %gather3A_127, %gather3A_140, %gather3A_153 in 1 : vector<16x2048xf32>, vector<16x2048xf32>, vector<16x2048xf32>, vector<16x2048xf32>, vector<16x2048xf32>, vector<16x2048xf32>, vector<16x2048xf32>, vector<16x2048xf32>, vector<16x2048xf32>, vector<16x2048xf32>, vector<16x2048xf32>, vector<16x2048xf32> -> vector<16x24576xf32>
    %get3A_154 = arith.constant 0 : index
    %get3A_155 = arith.constant 0 : index
    %get3A_156 = vector.load %arg4[%get3A_154, %get3A_155] : memref<32x16xf32, #tpu.memory_space<vmem>>, vector<32x16xf32>
    %dot_general3A = arith.constant dense<0.000000e+00> : vector<32x24576xf32>
    %dot_general3A_157 = tpu.matmul %get3A_156, %concatenate3A, %dot_general3A {dimension_numbers = #tpu.dot_dimension_numbers<[1], [0], [0], [1], [0, 0, 1, 1], [], []>, transpose_lhs_hint = false} : vector<32x16xf32>, vector<16x24576xf32>, vector<32x24576xf32> -> vector<32x24576xf32>
    %max3A = arith.constant 0.000000e+00 : f32
    %max3A_158 = vector.broadcast %max3A : f32 to vector<32x24576xf32>
    %max3A_159 = arith.maximumf %dot_general3A_157, %max3A_158 : vector<32x24576xf32>
    %slice3A_160 = vector.extract_strided_slice %max3A_159 {offsets = [0, 0], sizes = [32, 2048], strides = [1, 1]} : vector<32x24576xf32> to vector<32x2048xf32>
    %slice3A_161 = vector.extract_strided_slice %max3A_159 {offsets = [0, 2048], sizes = [32, 2048], strides = [1, 1]} : vector<32x24576xf32> to vector<32x2048xf32>
    %max3A_162 = arith.maximumf %slice3A_160, %slice3A_161 : vector<32x2048xf32>
    %slice3A_163 = vector.extract_strided_slice %max3A_159 {offsets = [0, 4096], sizes = [32, 2048], strides = [1, 1]} : vector<32x24576xf32> to vector<32x2048xf32>
    %max3A_164 = arith.maximumf %max3A_162, %slice3A_163 : vector<32x2048xf32>
    %slice3A_165 = vector.extract_strided_slice %max3A_159 {offsets = [0, 6144], sizes = [32, 2048], strides = [1, 1]} : vector<32x24576xf32> to vector<32x2048xf32>
    %max3A_166 = arith.maximumf %max3A_164, %slice3A_165 : vector<32x2048xf32>
    %slice3A_167 = vector.extract_strided_slice %max3A_159 {offsets = [0, 8192], sizes = [32, 2048], strides = [1, 1]} : vector<32x24576xf32> to vector<32x2048xf32>
    %max3A_168 = arith.maximumf %max3A_166, %slice3A_167 : vector<32x2048xf32>
    %slice3A_169 = vector.extract_strided_slice %max3A_159 {offsets = [0, 10240], sizes = [32, 2048], strides = [1, 1]} : vector<32x24576xf32> to vector<32x2048xf32>
    %max3A_170 = arith.maximumf %max3A_168, %slice3A_169 : vector<32x2048xf32>
    %slice3A_171 = vector.extract_strided_slice %max3A_159 {offsets = [0, 12288], sizes = [32, 2048], strides = [1, 1]} : vector<32x24576xf32> to vector<32x2048xf32>
    %max3A_172 = arith.maximumf %max3A_170, %slice3A_171 : vector<32x2048xf32>
    %slice3A_173 = vector.extract_strided_slice %max3A_159 {offsets = [0, 14336], sizes = [32, 2048], strides = [1, 1]} : vector<32x24576xf32> to vector<32x2048xf32>
    %max3A_174 = arith.maximumf %max3A_172, %slice3A_173 : vector<32x2048xf32>
    %slice3A_175 = vector.extract_strided_slice %max3A_159 {offsets = [0, 16384], sizes = [32, 2048], strides = [1, 1]} : vector<32x24576xf32> to vector<32x2048xf32>
    %max3A_176 = arith.maximumf %max3A_174, %slice3A_175 : vector<32x2048xf32>
    %slice3A_177 = vector.extract_strided_slice %max3A_159 {offsets = [0, 18432], sizes = [32, 2048], strides = [1, 1]} : vector<32x24576xf32> to vector<32x2048xf32>
    %max3A_178 = arith.maximumf %max3A_176, %slice3A_177 : vector<32x2048xf32>
    %slice3A_179 = vector.extract_strided_slice %max3A_159 {offsets = [0, 20480], sizes = [32, 2048], strides = [1, 1]} : vector<32x24576xf32> to vector<32x2048xf32>
    %max3A_180 = arith.maximumf %max3A_178, %slice3A_179 : vector<32x2048xf32>
    %slice3A_181 = vector.extract_strided_slice %max3A_159 {offsets = [0, 22528], sizes = [32, 2048], strides = [1, 1]} : vector<32x24576xf32> to vector<32x2048xf32>
    %max3A_182 = arith.maximumf %max3A_180, %slice3A_181 : vector<32x2048xf32>
    %slice3A_183 = vector.extract_strided_slice %concatenate3A {offsets = [0, 0], sizes = [16, 22528], strides = [1, 1]} : vector<16x24576xf32> to vector<16x22528xf32>
    %slice3A_184 = vector.extract_strided_slice %concatenate3A {offsets = [0, 2048], sizes = [16, 22528], strides = [1, 1]} : vector<16x24576xf32> to vector<16x22528xf32>
    %concatenate3A_185 = tpu.concatenate %slice3A_183, %slice3A_184 in 0 : vector<16x22528xf32>, vector<16x22528xf32> -> vector<32x22528xf32>
    %get3A_186 = arith.constant 0 : index
    %get3A_187 = arith.constant 0 : index
    %get3A_188 = vector.load %arg5[%get3A_186, %get3A_187] : memref<32x32xf32, #tpu.memory_space<vmem>>, vector<32x32xf32>
    %dot_general3A_189 = arith.constant dense<0.000000e+00> : vector<32x22528xf32>
    %dot_general3A_190 = tpu.matmul %get3A_188, %concatenate3A_185, %dot_general3A_189 {dimension_numbers = #tpu.dot_dimension_numbers<[1], [0], [0], [1], [0, 0, 1, 1], [], []>, transpose_lhs_hint = false} : vector<32x32xf32>, vector<32x22528xf32>, vector<32x22528xf32> -> vector<32x22528xf32>
    %max3A_191 = arith.constant 0.000000e+00 : f32
    %max3A_192 = vector.broadcast %max3A_191 : f32 to vector<32x22528xf32>
    %max3A_193 = arith.maximumf %dot_general3A_190, %max3A_192 : vector<32x22528xf32>
    %slice3A_194 = vector.extract_strided_slice %max3A_193 {offsets = [0, 0], sizes = [32, 2048], strides = [1, 1]} : vector<32x22528xf32> to vector<32x2048xf32>
    %slice3A_195 = vector.extract_strided_slice %max3A_193 {offsets = [0, 2048], sizes = [32, 2048], strides = [1, 1]} : vector<32x22528xf32> to vector<32x2048xf32>
    %max3A_196 = arith.maximumf %slice3A_194, %slice3A_195 : vector<32x2048xf32>
    %slice3A_197 = vector.extract_strided_slice %max3A_193 {offsets = [0, 4096], sizes = [32, 2048], strides = [1, 1]} : vector<32x22528xf32> to vector<32x2048xf32>
    %max3A_198 = arith.maximumf %max3A_196, %slice3A_197 : vector<32x2048xf32>
    %slice3A_199 = vector.extract_strided_slice %max3A_193 {offsets = [0, 6144], sizes = [32, 2048], strides = [1, 1]} : vector<32x22528xf32> to vector<32x2048xf32>
    %max3A_200 = arith.maximumf %max3A_198, %slice3A_199 : vector<32x2048xf32>
    %slice3A_201 = vector.extract_strided_slice %max3A_193 {offsets = [0, 8192], sizes = [32, 2048], strides = [1, 1]} : vector<32x22528xf32> to vector<32x2048xf32>
    %max3A_202 = arith.maximumf %max3A_200, %slice3A_201 : vector<32x2048xf32>
    %slice3A_203 = vector.extract_strided_slice %max3A_193 {offsets = [0, 10240], sizes = [32, 2048], strides = [1, 1]} : vector<32x22528xf32> to vector<32x2048xf32>
    %max3A_204 = arith.maximumf %max3A_202, %slice3A_203 : vector<32x2048xf32>
    %slice3A_205 = vector.extract_strided_slice %max3A_193 {offsets = [0, 12288], sizes = [32, 2048], strides = [1, 1]} : vector<32x22528xf32> to vector<32x2048xf32>
    %max3A_206 = arith.maximumf %max3A_204, %slice3A_205 : vector<32x2048xf32>
    %slice3A_207 = vector.extract_strided_slice %max3A_193 {offsets = [0, 14336], sizes = [32, 2048], strides = [1, 1]} : vector<32x22528xf32> to vector<32x2048xf32>
    %max3A_208 = arith.maximumf %max3A_206, %slice3A_207 : vector<32x2048xf32>
    %slice3A_209 = vector.extract_strided_slice %max3A_193 {offsets = [0, 16384], sizes = [32, 2048], strides = [1, 1]} : vector<32x22528xf32> to vector<32x2048xf32>
    %max3A_210 = arith.maximumf %max3A_208, %slice3A_209 : vector<32x2048xf32>
    %slice3A_211 = vector.extract_strided_slice %max3A_193 {offsets = [0, 18432], sizes = [32, 2048], strides = [1, 1]} : vector<32x22528xf32> to vector<32x2048xf32>
    %max3A_212 = arith.maximumf %max3A_210, %slice3A_211 : vector<32x2048xf32>
    %slice3A_213 = vector.extract_strided_slice %max3A_193 {offsets = [0, 20480], sizes = [32, 2048], strides = [1, 1]} : vector<32x22528xf32> to vector<32x2048xf32>
    %max3A_214 = arith.maximumf %max3A_212, %slice3A_213 : vector<32x2048xf32>
    %slice3A_215 = vector.extract_strided_slice %concatenate3A {offsets = [0, 0], sizes = [16, 20480], strides = [1, 1]} : vector<16x24576xf32> to vector<16x20480xf32>
    %slice3A_216 = vector.extract_strided_slice %concatenate3A {offsets = [0, 2048], sizes = [16, 20480], strides = [1, 1]} : vector<16x24576xf32> to vector<16x20480xf32>
    %slice3A_217 = vector.extract_strided_slice %concatenate3A {offsets = [0, 4096], sizes = [16, 20480], strides = [1, 1]} : vector<16x24576xf32> to vector<16x20480xf32>
    %concatenate3A_218 = tpu.concatenate %slice3A_215, %slice3A_216, %slice3A_217 in 0 : vector<16x20480xf32>, vector<16x20480xf32>, vector<16x20480xf32> -> vector<48x20480xf32>
    %get3A_219 = arith.constant 0 : index
    %get3A_220 = arith.constant 0 : index
    %get3A_221 = vector.load %arg6[%get3A_219, %get3A_220] : memref<64x48xf32, #tpu.memory_space<vmem>>, vector<64x48xf32>
    %dot_general3A_222 = arith.constant dense<0.000000e+00> : vector<64x20480xf32>
    %dot_general3A_223 = tpu.matmul %get3A_221, %concatenate3A_218, %dot_general3A_222 {dimension_numbers = #tpu.dot_dimension_numbers<[1], [0], [0], [1], [0, 0, 1, 1], [], []>, transpose_lhs_hint = false} : vector<64x48xf32>, vector<48x20480xf32>, vector<64x20480xf32> -> vector<64x20480xf32>
    %max3A_224 = arith.constant 0.000000e+00 : f32
    %max3A_225 = vector.broadcast %max3A_224 : f32 to vector<64x20480xf32>
    %max3A_226 = arith.maximumf %dot_general3A_223, %max3A_225 : vector<64x20480xf32>
    %slice3A_227 = vector.extract_strided_slice %max3A_226 {offsets = [0, 0], sizes = [64, 2048], strides = [1, 1]} : vector<64x20480xf32> to vector<64x2048xf32>
    %slice3A_228 = vector.extract_strided_slice %max3A_226 {offsets = [0, 2048], sizes = [64, 2048], strides = [1, 1]} : vector<64x20480xf32> to vector<64x2048xf32>
    %max3A_229 = arith.maximumf %slice3A_227, %slice3A_228 : vector<64x2048xf32>
    %slice3A_230 = vector.extract_strided_slice %max3A_226 {offsets = [0, 4096], sizes = [64, 2048], strides = [1, 1]} : vector<64x20480xf32> to vector<64x2048xf32>
    %max3A_231 = arith.maximumf %max3A_229, %slice3A_230 : vector<64x2048xf32>
    %slice3A_232 = vector.extract_strided_slice %max3A_226 {offsets = [0, 6144], sizes = [64, 2048], strides = [1, 1]} : vector<64x20480xf32> to vector<64x2048xf32>
    %max3A_233 = arith.maximumf %max3A_231, %slice3A_232 : vector<64x2048xf32>
    %slice3A_234 = vector.extract_strided_slice %max3A_226 {offsets = [0, 8192], sizes = [64, 2048], strides = [1, 1]} : vector<64x20480xf32> to vector<64x2048xf32>
    %max3A_235 = arith.maximumf %max3A_233, %slice3A_234 : vector<64x2048xf32>
    %slice3A_236 = vector.extract_strided_slice %max3A_226 {offsets = [0, 10240], sizes = [64, 2048], strides = [1, 1]} : vector<64x20480xf32> to vector<64x2048xf32>
    %max3A_237 = arith.maximumf %max3A_235, %slice3A_236 : vector<64x2048xf32>
    %slice3A_238 = vector.extract_strided_slice %max3A_226 {offsets = [0, 12288], sizes = [64, 2048], strides = [1, 1]} : vector<64x20480xf32> to vector<64x2048xf32>
    %max3A_239 = arith.maximumf %max3A_237, %slice3A_238 : vector<64x2048xf32>
    %slice3A_240 = vector.extract_strided_slice %max3A_226 {offsets = [0, 14336], sizes = [64, 2048], strides = [1, 1]} : vector<64x20480xf32> to vector<64x2048xf32>
    %max3A_241 = arith.maximumf %max3A_239, %slice3A_240 : vector<64x2048xf32>
    %slice3A_242 = vector.extract_strided_slice %max3A_226 {offsets = [0, 16384], sizes = [64, 2048], strides = [1, 1]} : vector<64x20480xf32> to vector<64x2048xf32>
    %max3A_243 = arith.maximumf %max3A_241, %slice3A_242 : vector<64x2048xf32>
    %slice3A_244 = vector.extract_strided_slice %max3A_226 {offsets = [0, 18432], sizes = [64, 2048], strides = [1, 1]} : vector<64x20480xf32> to vector<64x2048xf32>
    %max3A_245 = arith.maximumf %max3A_243, %slice3A_244 : vector<64x2048xf32>
    %concatenate3A_246 = tpu.concatenate %max3A_182, %max3A_214, %max3A_245 in 0 : vector<32x2048xf32>, vector<32x2048xf32>, vector<64x2048xf32> -> vector<128x2048xf32>
    %transpose3A = tpu.transpose %concatenate3A_246, [1, 0] : vector<128x2048xf32> -> vector<2048x128xf32>
    %swap3A = arith.constant 0 : index
    %swap3A_247 = arith.constant 0 : index
    %swap3A_248 = vector.load %arg7[%swap3A, %swap3A_247] : memref<2048x128xf32, #tpu.memory_space<vmem>>, vector<2048x128xf32>
    tpu.vector_store %arg7[%swap3A, %swap3A_247], %transpose3A {strides = array<i32>} : memref<2048x128xf32, #tpu.memory_space<vmem>>, vector<2048x128xf32>,
    return
  }
  func.func @transform_0(%arg0: i32) -> (i32, i32) {
    %c0_i32 = arith.constant 0 : i32
    %c0_i32_0 = arith.constant 0 : i32
    return %c0_i32, %arg0 : i32, i32
  }
  func.func @transform_2(%arg0: i32) -> (i32, i32) {
    %c0_i32 = arith.constant 0 : i32
    %c0_i32_0 = arith.constant 0 : i32
    %c0_i32_1 = arith.constant 0 : i32
    return %c0_i32, %c0_i32_0 : i32, i32
  }
  func.func @transform_3(%arg0: i32) -> (i32, i32) {
    %c0_i32 = arith.constant 0 : i32
    %c0_i32_0 = arith.constant 0 : i32
    %c0_i32_1 = arith.constant 0 : i32
    return %c0_i32, %c0_i32_0 : i32, i32
  }
  func.func @transform_4(%arg0: i32) -> (i32, i32) {
    %c0_i32 = arith.constant 0 : i32
    %c0_i32_0 = arith.constant 0 : i32
    %c0_i32_1 = arith.constant 0 : i32
    return %c0_i32, %c0_i32_0 : i32, i32
  }
  func.func @transform_5(%arg0: i32) -> (i32, i32) {
    %c0_i32 = arith.constant 0 : i32
    %c0_i32_0 = arith.constant 0 : i32
    %c0_i32_1 = arith.constant 0 : i32
    return %c0_i32, %c0_i32_0 : i32, i32
  }
  func.func @transform_6(%arg0: i32) -> (i32, i32) {
    %c1_i32 = arith.constant 1 : i32
    %c0_i32 = arith.constant 0 : i32
    return %arg0, %c1_i32 : i32, i32
  }
}

</mosaic_0001>

<sc_bundles>
// kernel: kernel.4.cloned.1.call-start
scs
__scs_entry_jumppad:
0x0: {  	(pc) =	sbr.rel $0x88, $3  }
0x1: {  	(tag) =	ssettag $0x0;
	lr =	simm.s32 $0x1  }
0x2: {  	[smem:$0x3F9A] =	sst lr;
	_ =	strace $0xD0000000  }
0x3: {  	_ = 	snop  }
0x4: {  	_ = 	snop  }
0x5: {  	_ = 	snop  }
0x6: {  	_ = 	snop  }
0x7: {  	_ = 	snop  }
__scs_overlays_trampoline_lowered:
0x8: {  	[smem:$0x3FA9] =	sst s0  }
0x9: {  	[smem:$0x3FAA] =	sst s1  }
0xa: {  	[smem:$0x3FAB] =	sst s2  }
0xb: {  	[smem:$0x3FAC] =	sst s3  }
0xc: {  	[smem:$0x3FAD] =	sst s4  }
0xd: {  	[smem:$0x3FAE] =	sst s5  }
0xe: {  	[smem:$0x3FAF] =	sst s6  }
0xf: {  	[smem:$0x3FB0] =	sst s7  }
0x10: {  	[smem:$0x3FB1] =	sst s8  }
0x11: {  	[smem:$0x3FB2] =	sst s9;
	s0 =	simm.s32 @!p0 $0x0  }
0x12: {  	s1 =	sld [smem:$0x3F98];
	s0 =	simm.s32 @p0 $0x1  }
0x13: {  	[smem:$0x3FB3] =	sst s0;
	s0 =	simm.s32 @!p1 $0x0  }
0x14: {  	s2 =	sld [smem:$0x3F97];
	s0 =	simm.s32 @p1 $0x1  }
0x15: {  	[smem:$0x3FB4] =	sst s0;
	s0 =	simm.s32 @!p2 $0x0  }
0x16: {  	s3 =	sld [smem:$0x3FDB];
	s0 =	simm.s32 @p2 $0x1  }
0x17: {  	s4 =	simm.s32 $0x1BF5;
	[smem:$0x3FB6] =	sst s0  }
0x18: {  	s0 =	sld [smem:$0x3F99];
	_ =	swait.ge [sflag:s4], $0x0  }
0x19: {  	s7 =	sld [smem:$0x3F9A]  }
0x1a: {  	s8 =	sadd.s32 $0xFFFFE003, lr  }
0x1b: {  	s9 =	sadd.s32 $0xFFFFFEF7, lr;
	s5 =	simm.s32 $0xFFFFFFFF;
	p2 =	slt.u32 s8, $0xFFFFF086  }
0x1c: {  	p1 =	slt.u32 s9, $0xF7A;
	s5 =	simm.s32 @!p2 $0x0  }
0x1d: {  	s5 =	simm.s32 @p1 $0x1;
	p0 =	seq.s32 s7, s2  }
0x1e: {  	s7 =	smul.u32 @!p0 $0xF7A, s2;
	p2 =	seq.s32 @!p0 s5, $0x0  }
0x1f: {  	s9 =	smul.u32 $0xF7A, s1;
	s8 =	simm.s32 @!p0 $0x1BF5;
	p2 =	por !p2, p0  }
0x20: {  	[sflag:s8] =	ssyncset.s32 @!p0 $0xFFFFF086;
	s6 =	sadd.s32 @!p0 s3, s7;
	s7 =	simm.s32 @!p0 $0x108  }
0x21: {  	s3 =	sadd.s32 s3, s9;
	s6 =	sadd.s32 @!p0 $0x88, s6;
	s7 =	simm.s32 @p2 $0x1082  }
0x22: {  	[simem:s7], [sflag:s8] =	dma.local @!p0 [hbm:s6], $0xF7A  }
0x23: {  	s9 =	sor.u32 $0xD0000000, s2;
	s6 =	simm.s32 $0x108;
	_ =	swait.ge @!p0 [sflag:s8], $0x0  }
0x24: {  	s3 =	sadd.s32 $0x88, s3;
	s6 =	simm.s32 @!p1 $0x1082;
	[sflag:s4] =	ssyncset.s32 $0xFFFFF086  }
0x25: {  	[simem:s6], [sflag:s4] =	dma.local [hbm:s3], $0xF7A  }
0x26: {  	[smem:$0x3F9A] =	sst s1;
	(tag) =	ssettag s2;
	_ =	strace s9  }
0x27: {  	s1 =	sld [smem:$0x3FAA]  }
0x28: {  	s2 =	sld [smem:$0x3FAB]  }
0x29: {  	s4 =	sld [smem:$0x3FAD]  }
0x2a: {  	p0 =	seq.s32 s5, $0x0;
	s5 =	sld [smem:$0x3FAE]  }
0x2b: {  	s6 =	sld [smem:$0x3FAF]  }
0x2c: {  	s7 =	sld [smem:$0x3FB0]  }
0x2d: {  	s3 =	simm.s32 $0x108;
	s8 =	sld [smem:$0x3FB1]  }
0x2e: {  	s3 =	simm.s32 @!p0 $0x1082;
	s9 =	sld [smem:$0x3FB2]  }
0x2f: {  	lr =	sadd.s32 s0, s3;
	s0 =	sld [smem:$0x3FA9]  }
0x30: {  	s3 =	sld [smem:$0x3FAC]  }
0x31: {  	[smem:$0x3FB5] =	sst s10  }
0x32: {  	s10 =	sld [smem:$0x3FB3];
	_ =	sdelay $0x3  }
0x33: {  	p0 =	seq.s32 s10, $0x1;
	s10 =	sld [smem:$0x3FB5];
	_ =	sdelay $0x3  }
0x34: {  	[smem:$0x3FB5] =	sst s10  }
0x35: {  	s10 =	sld [smem:$0x3FB4];
	_ =	sdelay $0x3  }
0x36: {  	p1 =	seq.s32 s10, $0x1;
	s10 =	sld [smem:$0x3FB5];
	_ =	sdelay $0x3  }
0x37: {  	[smem:$0x3FB5] =	sst s10  }
0x38: {  	s10 =	sld [smem:$0x3FB6]  }
0x39: {  	_ = 	snop;
	(pc) =	sbr.ind lr, $3  }
0x3a: {  	_ = 	snop  }
0x3b: {  	_ = 	snop  }
0x3c: {  	p2 =	seq.s32 s10, $0x1;
	s10 =	sld [smem:$0x3FB5]  }
0x3d: {  	_ =	shalt  }
0x3e: {  	_ =	shalt  }
0x3f: {  	_ =	shalt  }
0x40: {  	_ =	shalt  }
0x41: {  	_ =	shalt  }
0x42: {  	_ =	shalt  }
0x43: {  	_ =	shalt  }
0x44: {  	_ =	shalt  }
0x45: {  	_ =	shalt  }
0x46: {  	_ =	shalt  }
0x47: {  	_ =	shalt  }
0x48: {  	_ =	shalt  }
0x49: {  	_ =	shalt  }
0x4a: {  	_ =	shalt  }
0x4b: {  	_ =	shalt  }
0x4c: {  	_ =	shalt  }
0x4d: {  	_ =	shalt  }
0x4e: {  	_ =	shalt  }
0x4f: {  	_ =	shalt  }
0x50: {  	_ =	shalt  }
0x51: {  	_ =	shalt  }
0x52: {  	_ =	shalt  }
0x53: {  	_ =	shalt  }
0x54: {  	_ =	shalt  }
0x55: {  	_ =	shalt  }
0x56: {  	_ =	shalt  }
0x57: {  	_ =	shalt  }
0x58: {  	_ =	shalt  }
0x59: {  	_ =	shalt  }
0x5a: {  	_ =	shalt  }
0x5b: {  	_ =	shalt  }
0x5c: {  	_ =	shalt  }
0x5d: {  	_ =	shalt  }
0x5e: {  	_ =	shalt  }
0x5f: {  	_ =	shalt  }
0x60: {  	_ =	shalt  }
0x61: {  	_ =	shalt  }
0x62: {  	_ =	shalt  }
0x63: {  	_ =	shalt  }
0x64: {  	_ =	shalt  }
0x65: {  	_ =	shalt  }
0x66: {  	_ =	shalt  }
0x67: {  	_ =	shalt  }
0x68: {  	_ =	shalt  }
0x69: {  	_ =	shalt  }
0x6a: {  	_ =	shalt  }
0x6b: {  	_ =	shalt  }
0x6c: {  	_ =	shalt  }
0x6d: {  	_ =	shalt  }
0x6e: {  	_ =	shalt  }
0x6f: {  	_ =	shalt  }
0x70: {  	_ =	shalt  }
0x71: {  	_ =	shalt  }
0x72: {  	_ =	shalt  }
0x73: {  	_ =	shalt  }
0x74: {  	_ =	shalt  }
0x75: {  	_ =	shalt  }
0x76: {  	_ =	shalt  }
0x77: {  	_ =	shalt  }
0x78: {  	_ =	shalt  }
0x79: {  	_ =	shalt  }
0x7a: {  	_ =	shalt  }
0x7b: {  	_ =	shalt  }
0x7c: {  	_ =	shalt  }
0x7d: {  	_ =	shalt  }
0x7e: {  	_ =	shalt  }
0x7f: {  	_ =	shalt  }
0x80: {  	_ =	shalt  }
0x81: {  	_ =	shalt  }
0x82: {  	_ =	shalt  }
0x83: {  	_ =	shalt  }
0x84: {  	_ =	shalt  }
0x85: {  	_ =	shalt  }
0x86: {  	_ =	shalt  }
0x87: {  	_ =	shalt  }
.Lfunc_end0:
.L_simem_size_0:
called_computation_lowered:
.L_overlay_start_0:
0x88: {  	s2 =	sld [smem:$0x3FD9]  }
0x89: {  	s3 =	sld [smem:$0x3FFE];
	_ =	sdelay $0x1  }
0x8a: {  	s1 =	srdreg.scid  }
0x8b: {  	s0 =	sand.u32 $0x1, s1  }
0x8c: {  	s17 =	sshll.u32 s0, $0xA;
	s2 =	sadd.s32 s3, s2  }
0x8d: {  	s2 =	sadd.s32 s2, s17  }
0x8e: {  	[smem:$0x3FC1] =	sst s2  }
0x8f: {  	_ = 	snop  }
0x90: {  	s2 =	sld [smem:$0x3FC7]  }
0x91: {  	s18 =	sld [smem:$0x3FD0];
	(tm) =	ssettm $0x1  }
0x92: {  	s4 =	sld [smem:$0x3FFB];
	_ =	sdelay $0x3  }
0x93: {  	_ =	strace s4  }
0x94: {  	s4 =	sld [smem:$0x3FFC];
	_ =	sdelay $0x3  }
0x95: {  	_ =	strace s4  }
0x96: {  	s4 =	sld [smem:$0x3FFD];
	_ =	sdelay $0x3  }
0x97: {  	_ =	strace s4  }
0x98: {  	_ =	strace $0x8FFFFFFF  }
0x99: {  	s19 =	sld [smem:$0x3FDB];
	_ =	sdelay $0x1  }
0x9a: {  	s5 =	simm.s32 $_scs_section_size  }
0x9b: {  	s6 =	simm.s32 $_size__tile_overlayer_lowered;
	s7 =	simm.s32 $_tile_overlayer_lowered  }
0x9c: {  	s22 =	simm.s32 $0x1BFF;
	s21 =	sshll.u32 s7, $0x1;
	s4 =	sadd.s32 s5, s19  }
0x9d: {  	s8 =	simm.s32 $0x0;
	s20 =	sshll.u32 s6, $0x1;
	s6 =	sadd.s32 s21, s4  }
0x9e: {  	[timem:s8], [sflag:s22] =	dma.local [hbm:s6], s20  }
0x9f: {  	_ =	swait.ge [sflag:s22], s20  }
0xa0: {  	s5 =	ssub.s32 $0x0, s20;
	[sflag:s22] =	ssyncset.done $0x0  }
0xa1: {  	[sflag:s22] =	ssyncadd.s32 s5;
	_ =	sdelay $0x1  }
0xa2: {  	s23 =	simm.s32 $0x1B8B  }
0xa3: {  	_ =	swait.ge [sflag:s23], $0x1  }
0xa4: {  	[sflag:s23] =	ssyncset.done $0x0  }
0xa5: {  	s25 =	simm.s32 $0x1B8E;
	s24 =	sld [smem:$0x3FFE];
	[sflag:s23] =	ssyncadd.s32 $0xFFFFFFFF  }
0xa6: {  	s26 =	simm.s32 $execute0_lowered;
	[smem:$0x3FD2] =	sst s25  }
0xa7: {  	s6 =	sshll.u32 s26, $0x1;
	_ =	strace $0x80000046;
	[dreg:$0x1] =	wrdreg $0xFFFFFFFF  }
0xa8: {  	s28 =	simm.s32 $_size_execute0_lowered;
	s4 =	sadd.s32 s4, s6;
	[dreg:$0x0] =	wrdreg $0x0  }
0xa9: {  	s6 =	sshll.u32 s28, $0x1;
	[dreg:$0x2] =	wrdreg s4  }
0xaa: {  	[dreg:$0x3] =	wrdreg s6  }
0xab: {  	[dreg:$0x4] =	wrdreg $0xC0  }
0xac: {  	_ =	task [dreg:s8], $0x5FFFF  }
0xad: {  	[dreg:$0x1] =	wrdreg $0xFFFFFFFF  }
0xae: {  	[dreg:$0x0] =	wrdreg $0x60  }
0xaf: {  	[dreg:$0x2] =	wrdreg s24  }
0xb0: {  	[dreg:$0x3] =	wrdreg s2  }
0xb1: {  	[dreg:$0x4] =	wrdreg s18  }
0xb2: {  	[dreg:$0x5] =	wrdreg $0x9  }
0xb3: {  	_ =	task.clear_ibuf [dreg:s8], $0x6FFFF;
	_ =	strace $0x90000046  }
0xb4: {  	s29 =	simm.s32 $0x9;
	_ =	strace $0x80000048  }
0xb5: {  	_ =	swait.ge [sflag:s29], $0x1  }
0xb6: {  	[sflag:s29] =	ssyncadd.s32 $0xFFFFFFFF  }
0xb7: {  	_ =	strace $0x90000048  }
0xb8: {  	_ =	sfence  }
0xb9: {  	s30 =	sld [smem:$0x0];
	_ =	sdelay $0x2  }
0xba: {  	s31 =	sshll.u32 s1, $0xD;
	s1 =	sshrl.u32 s1, $0x2  }
0xbb: {  	s3 =	sand.u32 $0x4000, s31;
	s1 =	sadd.s32 s1, s30  }
0xbc: {  	s0 =	sor.u32 s3, s0;
	s1 =	sshll.u32 s1, $0x11  }
0xbd: {  	s0 =	sor.u32 s1, s0  }
0xbe: {  	s0 =	sadd.s32 $0x8F2B, s0  }
0xbf: {  	[sflag:s0] =	ssyncadd.remote.s32 $0x1  }
0xc0: {  	_ =	sfence.sel $0xFFFF  }
0xc1: {  	[dreg:$0x0] =	wrdreg $0xFFFFFFFF;
	(pc) =	sbr.abs _section_cstart, $3  }
0xc2: {  	[dreg:$0x1] =	wrdreg $0xFFFFFFFF  }
0xc3: {  	_ =	task.clear_ibuf [dreg:s8], $0x2FFFF;
	_ =	strace $0x9FFFFFFF  }
0xc4: {  	(tm) =	ssettm $0x7FFFFFFF  }
0xc5: {  	_ =	shalt  }
tec
execute0_lowered:
.L_overlay_start_1:
0x0: {  	(tag) =	ssettag $0x1  }
0x1: {  	s4 =	rddreg [dreg:$0x0]  }
0x2: {  	s1 =	srdreg.scid;
	s2 =	rddreg [dreg:$0x1]  }
0x3: {  	s0 =	stileid.u32;
	s9 =	rddreg [dreg:$0x2];
	s3 =	simm.s32 $0x0  }
0x4: {  	s14 =	simm.s32 $0x1;
	s15 =	simm.s32 $0x400;
	s12 =	smul.u32 $0x64000, s0  }
0x5: {  	s16 =	simm.s32 $0x800;
	s6 =	sand.u32 $0x1, s1;
	s26 =	smul.u32 $0x320000, s0  }
0x6: {  	s17 =	simm.s32 $0x2;
	s24 =	sshll.u32 s0, $0x1;
	s28 =	smul.u32 $0x190000, s6  }
0x7: {  	s1 =	rddreg [dreg:$0x3];
	s5 =	sor.u32 s6, s24;
	s13 =	smul.u32 $0x32000, s6  }
0x8: {  	s18 =	simm.s32 $0x0;
	[smem:$0x7FF] =	sst s3;
	s7 =	smul.u32 $0x320, s5  }
0x9: {  	s10 =	ssub.s32 $0x2, s6;
	_ =	strace $0x80000047;
	s8 =	smul.u32 $0x190000, s5  }
0xa: {  	s11 =	smul.u32 $0x32000, s5;
	s25 =	sshrl.u32 s10, $0x1;
	s29 =	sadd.s32 s12, s9  }
0xb: {  	s12 =	simm.s32 $0x1900;
	s5 =	ssub.s32 s10, s25;
	s10 =	simm.s32 $0x3  }
0xc: {  	s4 =	sadd.s32 s7, s4;
	s8 =	sshrl.u32 s8, $0x3;
	s5 =	smax.u32 s5, $0x1  }
0xd: {  	s7 =	sadd.s32 s28, s26;
	s30 =	sadd.s32 s11, s9;
	s11 =	simm.s32 $0x80  }
0xe: {  	s4 =	sadd.s32 $0x1200, s4;
	s8 =	sadd.s32 s9, s8;
	s31 =	sshrl.u32 s7, $0x3  }
0xf: {  	s7 =	sadd.s32 $0x31000, s30;
	s6 =	sadd.s32 $0x30000, s8;
	s8 =	sadd.s32 s13, s29  }
0x10: {  	s9 =	sadd.s32 s31, s9;
	s13 =	simm.s32 $0x5900;
	s8 =	sadd.s32 $0x1000, s8  }
.LBB2_1:
0x11: {  	[tilespmem:s3], [sflag:$0x3] =	stream.linear.gather [hbm4b:s4+s3], $0x1900, $0x38;
	[tilespmem:$0x9900] =	vst v63  }
0x12: {  	_ =	swait.ge [sflag:s10], $0x1900  }
0x13: {  	[sflag:s10] =	ssyncset.done $0x0  }
0x14: {  	[sflag:s10] =	ssyncadd.s32 $0xFFFFE700  }
0x15: {  	[tilespmem:s12], [sflag:$0x1] =	stream.indirect.gather [hbm4b:s2+s11], $0x80, s3, s11, $0xb8;
	[tilespmem:$0x9900] =	vst v63  }
0x16: {  	_ = 	snop  }
0x17: {  	[tilespmem:s13], [sflag:$0x2] =	stream.indirect.gather [hbm4b:s2+s11], $0x80, s11, s11, $0xb8;
	[tilespmem:$0x9900] =	vst v63  }
0x18: {  	_ =	swait.ge [sflag:s14], $0x4000  }
0x19: {  	[sflag:s14] =	ssyncset.done $0x0  }
0x1a: {  	s19 =	sadd.s32 $0x0, s9;
	[sflag:s14] =	ssyncadd.s32 $0xFFFFC000  }
0x1b: {  	[hbm4b:s19+s15] =	stream.strided.scatter [tilespmem:s12], [sflag:$0x3], $0x4000, s16, s15, $0x38;
	[tilespmem:$0x9900] =	vst v63  }
0x1c: {  	_ =	swait.ge [sflag:s10], $0x4000  }
0x1d: {  	[sflag:s10] =	ssyncset.done $0x0  }
0x1e: {  	s30 =	simm.s32 $0x100;
	[sflag:s10] =	ssyncadd.s32 $0xFFFFC000  }
0x1f: {  	[tilespmem:s12], [sflag:$0x1] =	stream.indirect.gather [hbm4b:s2+s11], $0x80, s30, s11, $0xb8;
	[tilespmem:$0x9900] =	vst v63  }
0x20: {  	_ =	swait.ge [sflag:s17], $0x4000  }
0x21: {  	[sflag:s17] =	ssyncset.done $0x0  }
0x22: {  	s31 =	sadd.s32 $0x0, s8;
	[sflag:s17] =	ssyncadd.s32 $0xFFFFC000  }
0x23: {  	[hbm4b:s31+s15] =	stream.strided.scatter [tilespmem:s13], [sflag:$0x3], $0x4000, s16, s15, $0x38;
	[tilespmem:$0x9900] =	vst v63  }
0x24: {  	_ =	swait.ge [sflag:s10], $0x4000  }
0x25: {  	s20 =	simm.s32 $0x2000;
	[sflag:s10] =	ssyncset.done $0x0  }
0x26: {  	s21 =	simm.s32 $0x280;
	s19 =	simm.s32 $0x180;
	[sflag:s10] =	ssyncadd.s32 $0xFFFFC000  }
.LBB2_2:
0x27: {  	[tilespmem:s13], [sflag:$0x2] =	stream.indirect.gather [hbm4b:s2+s11], $0x80, s19, s11, $0xb8;
	[tilespmem:$0x9900] =	vst v63  }
0x28: {  	s22 =	smov.u32 s20;
	s19 =	smov.u32 s21  }
0x29: {  	p0 =	sne.s32 s20, $0x2E000;
	s20 =	sadd.s32 $0x2000, s20;
	_ =	swait.ge [sflag:s14], $0x4000  }
0x2a: {  	[sflag:s14] =	ssyncset.done $0x0  }
0x2b: {  	s23 =	sadd.s32 s22, s9;
	[sflag:s14] =	ssyncadd.s32 $0xFFFFC000  }
0x2c: {  	[hbm4b:s23+s15] =	stream.strided.scatter [tilespmem:s12], [sflag:$0x3], $0x4000, s16, s15, $0x38;
	[tilespmem:$0x9900] =	vst v63  }
0x2d: {  	_ =	swait.ge [sflag:s10], $0x4000  }
0x2e: {  	[sflag:s10] =	ssyncset.done $0x0  }
0x2f: {  	s23 =	sadd.s32 $0xFFFFFF80, s21;
	[sflag:s10] =	ssyncadd.s32 $0xFFFFC000  }
0x30: {  	[tilespmem:s12], [sflag:$0x1] =	stream.indirect.gather [hbm4b:s2+s11], $0x80, s23, s11, $0xb8;
	[tilespmem:$0x9900] =	vst v63  }
0x31: {  	_ =	swait.ge [sflag:s17], $0x4000  }
0x32: {  	[sflag:s17] =	ssyncset.done $0x0  }
.Ltmp0:
0x33: {  	s22 =	sadd.s32 s22, s8;
	[sflag:s17] =	ssyncadd.s32 $0xFFFFC000;
	(pc) =	sbr.rel @p0 .LBB2_2-.Ltmp0, $4  }
0x34: {  	[hbm4b:s22+s15] =	stream.strided.scatter [tilespmem:s13], [sflag:$0x3], $0x4000, s16, s15, $0x38;
	[tilespmem:$0x9900] =	vst v63  }
0x35: {  	_ =	swait.ge [sflag:s10], $0x4000  }
0x36: {  	[sflag:s10] =	ssyncset.done $0x0  }
0x37: {  	s21 =	sadd.s32 $0x100, s21;
	[sflag:s10] =	ssyncadd.s32 $0xFFFFC000  }
0x38: {  	[tilespmem:s13], [sflag:$0x2] =	stream.indirect.gather [hbm4b:s2+s11], $0x80, s19, s11, $0xb8;
	[tilespmem:$0x9900] =	vst v63  }
0x39: {  	_ =	swait.ge [sflag:s14], $0x4000  }
0x3a: {  	[sflag:s14] =	ssyncset.done $0x0  }
0x3b: {  	[sflag:s14] =	ssyncadd.s32 $0xFFFFC000  }
0x3c: {  	[hbm4b:s6+s15] =	stream.strided.scatter [tilespmem:s12], [sflag:$0x3], $0x4000, s16, s15, $0x38;
	[tilespmem:$0x9900] =	vst v63  }
0x3d: {  	_ =	swait.ge [sflag:s10], $0x4000  }
0x3e: {  	[sflag:s10] =	ssyncset.done $0x0  }
0x3f: {  	[sflag:s10] =	ssyncadd.s32 $0xFFFFC000  }
0x40: {  	s18 =	sadd.s32 $0x1, s18;
	_ =	swait.ge [sflag:s17], $0x4000  }
0x41: {  	p0 =	sne.s32 s18, s5;
	[sflag:s17] =	ssyncset.done $0x0  }
.Ltmp1:
0x42: {  	[sflag:s17] =	ssyncadd.s32 $0xFFFFC000;
	(pc) =	sbr.rel @p0 .LBB2_1-.Ltmp1, $4  }
0x43: {  	[hbm4b:s7+s15] =	stream.strided.scatter [tilespmem:s13], [sflag:$0x3], $0x4000, s16, s15, $0x38;
	[tilespmem:$0x9900] =	vst v63  }
0x44: {  	_ =	swait.ge [sflag:s10], $0x4000  }
0x45: {  	[sflag:s10] =	ssyncset.done $0x0  }
0x46: {  	[sflag:s10] =	ssyncadd.s32 $0xFFFFC000  }
0x47: {  	_ =	sfence.sel $0x180000  }
0x48: {  	[bflag:$0x0] =	sbarrier.arrive $0xFFFF  }
0x49: {  	p0 =	sne.s32 s0, $0x0;
	_ =	strace $0x90000047  }
0x4a: {  	s0 =	sadd.s32 @!p0 $0x100000, s1;
	[bflag:$0x2] =	sbarrier.arrive $0xFFFF  }
0x4b: {  	[sflag:s0] =	ssyncadd.tile.s32 @!p0 $0x1;
	_ =	shalt  }
.Lfunc_end2:
_tile_overlayer_lowered:
.L_overlay_start_2:
0x4c: {  	(tag) =	ssettag $0x2  }
0x4d: {  	s0 =	rddreg [dreg:$0x0];
	s2 =	stileid.u32  }
0x4e: {  	s1 =	rddreg [dreg:$0x1];
	p0 =	sne.s32 s2, $0x0  }
0x4f: {  	s3 =	rddreg [dreg:$0x2];
	[bflag:$0x3] =	sbarrier.arrive $0xFFFF;
	s2 =	simm.s32 @!p0 $0x1C03  }
0x50: {  	[timem:s3], [sflag:s2] =	dma.local @!p0 [hbm:s0], s1  }
0x51: {  	s0 =	simm.s32 @!p0 $0x3  }
0x52: {  	_ =	swait.ge @!p0 [sflag:s0], s1  }
0x53: {  	s1 =	ssub.s32 @!p0 $0x0, s1;
	[sflag:s0] =	ssyncset.done @!p0 $0x0  }
0x54: {  	[sflag:s0] =	ssyncadd.s32 @!p0 s1  }
0x55: {  	[bflag:$0x3] =	sbarrier.arrive $0xFFFF  }
0x56: {  	_ =	shalt  }

</sc_bundles>
